<compile_context>
chip_gen: v7x
topology: tpu7x:2x2x1
jax: 0.10.2.dev20260603
libtpu: 0.0.44.dev20260713+nightly
codegen_flags: <defaults>
</compile_context>

<pallas_src>
import jax
import jax.numpy as jnp
from jax import lax
from jax.experimental import pallas as pl
from jax.experimental.pallas import tpu as pltpu
from jax.experimental.pallas import tpu_sc as plsc

VOCAB = 1000
EMBED = 128
BATCH = 16384
HIST = 200

NC = 2
NS = 16
NW = NC * NS

B = BATCH * HIST
B_PER_W = B // NW
CHUNK = 128
NBUF = 4
LEAD = 2
IDX_BLOCK = 12800
N_INNER = IDX_BLOCK // CHUNK
N_OUTER = B_PER_W // IDX_BLOCK


def _body(idx_hbm, table_hbm, out_hbm, idx_v, table_sp, r0, r1, r2, r3,
          g0, g1, g2, g3, s0, s1, s2, s3):
    rows = [r0, r1, r2, r3]
    gsem = [g0, g1, g2, g3]
    ssem = [s0, s1, s2, s3]

    sid = lax.axis_index("s")
    wid = sid * NC + lax.axis_index("c")
    base = wid * B_PER_W

    @pl.when(sid == 0)
    def _():
        pltpu.sync_copy(table_hbm, table_sp)

    plsc.subcore_barrier()

    def gather_start(c, b):
        pltpu.async_copy(
            table_sp.at[idx_v.at[pl.ds(c * CHUNK, CHUNK)]], rows[b], gsem[b]
        )

    def gather_wait(b):
        pltpu.make_async_copy(
            table_sp.at[pl.ds(0, CHUNK)], rows[b], gsem[b]
        ).wait()

    def store_start(blk, c, b):
        pltpu.async_copy(
            rows[b], out_hbm.at[pl.ds(blk + c * CHUNK, CHUNK)], ssem[b]
        )

    def store_wait(blk, b):
        pltpu.make_async_copy(
            rows[b], out_hbm.at[pl.ds(blk, CHUNK)], ssem[b]
        ).wait()

    def outer(ib, _):
        blk = base + ib * IDX_BLOCK
        pltpu.sync_copy(idx_hbm.at[pl.ds(blk, IDX_BLOCK)], idx_v)

        for b in range(LEAD):
            gather_start(b, b)

        def inner(o, _):
            for b in range(NBUF):
                c = o * NBUF + b
                gather_wait(b)
                store_start(blk, c, b)
                nb = (b + LEAD) % NBUF
                cc = c + LEAD

                @pl.when(cc < N_INNER)
                def _():
                    @pl.when(c >= NBUF - LEAD)
                    def _():
                        store_wait(blk, nb)

                    gather_start(cc, nb)
            return 0

        lax.fori_loop(0, N_INNER // NBUF, inner, 0)
        for b in range(NBUF):
            store_wait(blk, b)
        return 0

    lax.fori_loop(0, N_OUTER, outer, 0)


@jax.jit
def _embed(idx_flat, table):
    mesh = plsc.VectorSubcoreMesh(core_axis_name="c", subcore_axis_name="s")
    run = pl.kernel(
        _body,
        out_type=jax.ShapeDtypeStruct((B, EMBED), jnp.float32),
        mesh=mesh,
        scratch_types=(
            [pltpu.VMEM((IDX_BLOCK,), jnp.int32),
             pltpu.VMEM_SHARED((VOCAB, EMBED), jnp.float32)]
            + [pltpu.VMEM((CHUNK, EMBED), jnp.float32) for _ in range(NBUF)]
            + [pltpu.SemaphoreType.DMA for _ in range(2 * NBUF)]
        ),
    )
    return run(idx_flat, table)


def kernel(visit_segments, table):
    idx_flat = visit_segments.reshape(B)
    out = _embed(idx_flat, table)
    return out.reshape(BATCH, HIST, EMBED)

# --- scband reference (transcript-rebuilt; emitter-appended) ---
"""Pipeline reference for scband-visit-embedding-18038862643987 (READ-ONLY COPY).

The authoritative reference and input builder live on the scoring server;
editing this copy changes nothing except your own understanding.
"""

import jax, jax.numpy as jnp
import numpy as np

VOCAB = 1000
EMBED = 128
BATCH = 16384
HIST = 200

def setup_inputs(seed: int = 0) -> dict:
    key = jax.random.key(seed)
    k1, k2 = jax.random.split(key)
    visit_segments = jax.random.randint(k1, (BATCH, HIST), 0, VOCAB, dtype=jnp.int64 if jax.config.jax_enable_x64 else jnp.int32)
    table = jax.random.normal(k2, (VOCAB, EMBED), dtype=jnp.float32)
    return {"visit_segments": visit_segments, "table": table}

def reference(visit_segments, table):
    # nn.Embedding forward: gather rows of the table by index
    return jnp.take(table, visit_segments, axis=0)

if __name__ == "__main__":
    import jax
    _d = setup_inputs()
    print(jax.jit(kernel)(*tuple(_d.values())))

</pallas_src>

<mosaic_0001>
#map = affine_map<(d0, d1) -> (0)>
#map1 = affine_map<(d0, d1) -> (0, 0)>
module attributes {stable_mosaic.version = 14 : i64} {
  func.func @_body(%arg0: i32, %arg1: i32, %arg2: memref<3276800xi32, #tpu.memory_space<hbm>>, %arg3: memref<1000x128xf32, #tpu.memory_space<hbm>>, %arg4: memref<3276800x128xf32, #tpu.memory_space<hbm>>, %arg5: memref<12800xi32, #tpu.memory_space<vmem>>, %arg6: memref<1000x128xf32, #tpu.memory_space<vmem_shared>>, %arg7: memref<128x128xf32, #tpu.memory_space<vmem>>, %arg8: memref<128x128xf32, #tpu.memory_space<vmem>>, %arg9: memref<128x128xf32, #tpu.memory_space<vmem>>, %arg10: memref<128x128xf32, #tpu.memory_space<vmem>>, %arg11: memref<!tpu.dma_semaphore, #tpu.memory_space<semaphore_mem>>, %arg12: memref<!tpu.dma_semaphore, #tpu.memory_space<semaphore_mem>>, %arg13: memref<!tpu.dma_semaphore, #tpu.memory_space<semaphore_mem>>, %arg14: memref<!tpu.dma_semaphore, #tpu.memory_space<semaphore_mem>>, %arg15: memref<!tpu.dma_semaphore, #tpu.memory_space<semaphore_mem>>, %arg16: memref<!tpu.dma_semaphore, #tpu.memory_space<semaphore_mem>>, %arg17: memref<!tpu.dma_semaphore, #tpu.memory_space<semaphore_mem>>, %arg18: memref<!tpu.dma_semaphore, #tpu.memory_space<semaphore_mem>>) attributes {dimension_semantics = [#tpu.dimension_semantics<core_parallel>, #tpu.dimension_semantics<subcore_parallel>], iteration_bounds = array<i64: 2, 16>, scalar_prefetch = 0 : i64, scratch_operands = 14 : i64, tpu.core_type = #tpu.core_type<sc_vector_subcore>, window_params = [{transform_indices = #map}, {transform_indices = #map1}, {transform_indices = #map1}]} {
    %mul3A = arith.constant 2 : i32
    %mul3A_0 = arith.muli %arg1, %mul3A : i32
    %add3A = arith.addi %mul3A_0, %arg0 : i32
    %mul3A_1 = arith.constant 102400 : i32
    %mul3A_2 = arith.muli %add3A, %mul3A_1 : i32
    %eq3A = arith.constant 0 : i32
    %eq3A_3 = arith.cmpi eq, %arg1, %eq3A : i32
    %convert_element_type3A = arith.extui %eq3A_3 : i1 to i32
    %cond3A = arith.constant 0 : i32
    %cond3A_4 = arith.cmpi ne, %convert_element_type3A, %cond3A : i32
    scf.if %cond3A_4 {
      "tpu.region"() ({
        %run_scoped3A = tpu.sem_alloc : memref<!tpu.dma_semaphore, #tpu.memory_space<semaphore_mem>>
        tpu.enqueue_dma source(%arg3 : memref<1000x128xf32, #tpu.memory_space<hbm>>) target(%arg6 : memref<1000x128xf32, #tpu.memory_space<vmem_shared>>) target_semaphore(%run_scoped3A : memref<!tpu.dma_semaphore, #tpu.memory_space<semaphore_mem>>)
        tpu.wait_dma2 semaphore(%run_scoped3A : memref<!tpu.dma_semaphore, #tpu.memory_space<semaphore_mem>>) src(%arg3 : memref<1000x128xf32, #tpu.memory_space<hbm>>) dst(%arg6 : memref<1000x128xf32, #tpu.memory_space<vmem_shared>>)
        tpu.yield
      }) : () -> ()
    } else {
    }
    %barrier3A = arith.constant 0 : index
    tpu.barrier barrier_id(%barrier3A)
    %scan3A = arith.constant 0 : i32
    %scan3A_5 = arith.constant 0 : i32
    %scan3A_6 = arith.constant 8 : i32
    %scan3A_7 = arith.addi %scan3A_5, %scan3A_6 : i32
    %scan3A_8 = arith.constant 1 : i32
    %scan3A_9 = scf.for %scan3A_11 = %scan3A_5 to %scan3A_7 step %scan3A_8 iter_args(%scan3A_12 = %scan3A) -> (i32)  : i32 {
      %mul3A_13 = arith.constant 12800 : i32
      %mul3A_14 = arith.muli %scan3A_11, %mul3A_13 : i32
      %add3A_15 = arith.addi %mul3A_2, %mul3A_14 : i32
      "tpu.region"() ({
        %run_scoped3A = tpu.sem_alloc : memref<!tpu.dma_semaphore, #tpu.memory_space<semaphore_mem>>
        %dma_start3A_48 = tpu.memref_slice %arg2[%add3A_15] : memref<3276800xi32, #tpu.memory_space<hbm>> -> memref<12800xi32, #tpu.memory_space<hbm>>
        %dma_start3A_49 = tpu.memref_slice %arg2[%add3A_15] : memref<3276800xi32, #tpu.memory_space<hbm>> -> memref<12800xi32, #tpu.memory_space<hbm>>
        tpu.enqueue_dma source(%dma_start3A_49 : memref<12800xi32, #tpu.memory_space<hbm>>) target(%arg5 : memref<12800xi32, #tpu.memory_space<vmem>>) target_semaphore(%run_scoped3A : memref<!tpu.dma_semaphore, #tpu.memory_space<semaphore_mem>>)
        %dma_wait3A_50 = tpu.memref_slice %arg2[%add3A_15] : memref<3276800xi32, #tpu.memory_space<hbm>> -> memref<12800xi32, #tpu.memory_space<hbm>>
        %dma_wait3A_51 = tpu.memref_slice %arg2[%add3A_15] : memref<3276800xi32, #tpu.memory_space<hbm>> -> memref<12800xi32, #tpu.memory_space<hbm>>
        tpu.wait_dma2 semaphore(%run_scoped3A : memref<!tpu.dma_semaphore, #tpu.memory_space<semaphore_mem>>) src(%dma_wait3A_51 : memref<12800xi32, #tpu.memory_space<hbm>>) dst(%arg5 : memref<12800xi32, #tpu.memory_space<vmem>>)
        tpu.yield
      }) : () -> ()
      %dma_start3A = arith.constant 0 : i32
      %dma_start3A_16 = tpu.memref_slice %arg5[%dma_start3A] : memref<12800xi32, #tpu.memory_space<vmem>> -> memref<128xi32, #tpu.memory_space<vmem>>
      %dma_start3A_17 = arith.constant 0 : i32
      %dma_start3A_18 = arith.constant 0 : i32
      %dma_start3A_19 = tpu.memref_slice %arg6[%dma_start3A_17, %dma_start3A_18] : memref<1000x128xf32, #tpu.memory_space<vmem_shared>> -> memref<1000x128xf32, #tpu.memory_space<vmem_shared>>
      tpu.enqueue_indirect_dma source(%dma_start3A_19 : memref<1000x128xf32, #tpu.memory_space<vmem_shared>>) target(%arg7 : memref<128x128xf32, #tpu.memory_space<vmem>>) offsets(%dma_start3A_16 : memref<128xi32, #tpu.memory_space<vmem>>) semaphore(%arg11 : memref<!tpu.dma_semaphore, #tpu.memory_space<semaphore_mem>>)
      %dma_start3A_20 = arith.constant 128 : i32
      %dma_start3A_21 = tpu.memref_slice %arg5[%dma_start3A_20] : memref<12800xi32, #tpu.memory_space<vmem>> -> memref<128xi32, #tpu.memory_space<vmem>>
      %dma_start3A_22 = arith.constant 0 : i32
      %dma_start3A_23 = arith.constant 0 : i32
      %dma_start3A_24 = tpu.memref_slice %arg6[%dma_start3A_22, %dma_start3A_23] : memref<1000x128xf32, #tpu.memory_space<vmem_shared>> -> memref<1000x128xf32, #tpu.memory_space<vmem_shared>>
      tpu.enqueue_indirect_dma source(%dma_start3A_24 : memref<1000x128xf32, #tpu.memory_space<vmem_shared>>) target(%arg8 : memref<128x128xf32, #tpu.memory_space<vmem>>) offsets(%dma_start3A_21 : memref<128xi32, #tpu.memory_space<vmem>>) semaphore(%arg12 : memref<!tpu.dma_semaphore, #tpu.memory_space<semaphore_mem>>)
      %scan3A_25 = arith.constant 0 : i32
      %scan3A_26 = arith.constant 0 : i32
      %scan3A_27 = arith.constant 25 : i32
      %scan3A_28 = arith.addi %scan3A_26, %scan3A_27 : i32
      %scan3A_29 = arith.constant 1 : i32
      %scan3A_30 = scf.for %scan3A_48 = %scan3A_26 to %scan3A_28 step %scan3A_29 iter_args(%scan3A_49 = %scan3A_25) -> (i32)  : i32 {
        %mul3A_50 = arith.constant 4 : i32
        %mul3A_51 = arith.muli %scan3A_48, %mul3A_50 : i32
        %add3A_52 = arith.constant 0 : i32
        %add3A_53 = arith.addi %mul3A_51, %add3A_52 : i32
        %dma_wait3A_54 = arith.constant 0 : i32
        %dma_wait3A_55 = arith.constant 0 : i32
        %dma_wait3A_56 = tpu.memref_slice %arg6[%dma_wait3A_54, %dma_wait3A_55] : memref<1000x128xf32, #tpu.memory_space<vmem_shared>> -> memref<128x128xf32, #tpu.memory_space<vmem_shared>>
        %dma_wait3A_57 = arith.constant 0 : i32
        %dma_wait3A_58 = arith.constant 0 : i32
        %dma_wait3A_59 = tpu.memref_slice %arg6[%dma_wait3A_57, %dma_wait3A_58] : memref<1000x128xf32, #tpu.memory_space<vmem_shared>> -> memref<128x128xf32, #tpu.memory_space<vmem_shared>>
        tpu.wait_dma2 semaphore(%arg11 : memref<!tpu.dma_semaphore, #tpu.memory_space<semaphore_mem>>) src(%dma_wait3A_59 : memref<128x128xf32, #tpu.memory_space<vmem_shared>>) dst(%arg7 : memref<128x128xf32, #tpu.memory_space<vmem>>)
        %mul3A_60 = arith.constant 128 : i32
        %mul3A_61 = arith.muli %add3A_53, %mul3A_60 : i32
        %add3A_62 = arith.addi %add3A_15, %mul3A_61 : i32
        %dma_start3A_63 = arith.constant 0 : i32
        %dma_start3A_64 = tpu.memref_slice %arg4[%add3A_62, %dma_start3A_63] : memref<3276800x128xf32, #tpu.memory_space<hbm>> -> memref<128x128xf32, #tpu.memory_space<hbm>>
        %dma_start3A_65 = arith.constant 0 : i32
        %dma_start3A_66 = tpu.memref_slice %arg4[%add3A_62, %dma_start3A_65] : memref<3276800x128xf32, #tpu.memory_space<hbm>> -> memref<128x128xf32, #tpu.memory_space<hbm>>
        tpu.enqueue_dma source(%arg7 : memref<128x128xf32, #tpu.memory_space<vmem>>) target(%dma_start3A_66 : memref<128x128xf32, #tpu.memory_space<hbm>>) target_semaphore(%arg15 : memref<!tpu.dma_semaphore, #tpu.memory_space<semaphore_mem>>)
        %add3A_67 = arith.constant 2 : i32
        %add3A_68 = arith.addi %add3A_53, %add3A_67 : i32
        %lt3A = arith.constant 100 : i32
        %lt3A_69 = arith.cmpi slt, %add3A_68, %lt3A : i32
        %convert_element_type3A_70 = arith.extui %lt3A_69 : i1 to i32
        %cond3A_71 = arith.constant 0 : i32
        %cond3A_72 = arith.cmpi ne, %convert_element_type3A_70, %cond3A_71 : i32
        scf.if %cond3A_72 {
          %ge3A = arith.constant 2 : i32
          %ge3A_146 = arith.cmpi sge, %add3A_53, %ge3A : i32
          %convert_element_type3A_147 = arith.extui %ge3A_146 : i1 to i32
          %cond3A_148 = arith.constant 0 : i32
          %cond3A_149 = arith.cmpi ne, %convert_element_type3A_147, %cond3A_148 : i32
          scf.if %cond3A_149 {
            %dma_wait3A_156 = arith.constant 0 : i32
            %dma_wait3A_157 = tpu.memref_slice %arg4[%add3A_15, %dma_wait3A_156] : memref<3276800x128xf32, #tpu.memory_space<hbm>> -> memref<128x128xf32, #tpu.memory_space<hbm>>
            %dma_wait3A_158 = arith.constant 0 : i32
            %dma_wait3A_159 = tpu.memref_slice %arg4[%add3A_15, %dma_wait3A_158] : memref<3276800x128xf32, #tpu.memory_space<hbm>> -> memref<128x128xf32, #tpu.memory_space<hbm>>
            tpu.wait_dma2 semaphore(%arg17 : memref<!tpu.dma_semaphore, #tpu.memory_space<semaphore_mem>>) src(%arg9 : memref<128x128xf32, #tpu.memory_space<vmem>>) dst(%dma_wait3A_159 : memref<128x128xf32, #tpu.memory_space<hbm>>)
          } else {
          }
          %mul3A_150 = arith.constant 128 : i32
          %mul3A_151 = arith.muli %add3A_68, %mul3A_150 : i32
          %dma_start3A_152 = tpu.memref_slice %arg5[%mul3A_151] : memref<12800xi32, #tpu.memory_space<vmem>> -> memref<128xi32, #tpu.memory_space<vmem>>
          %dma_start3A_153 = arith.constant 0 : i32
          %dma_start3A_154 = arith.constant 0 : i32
          %dma_start3A_155 = tpu.memref_slice %arg6[%dma_start3A_153, %dma_start3A_154] : memref<1000x128xf32, #tpu.memory_space<vmem_shared>> -> memref<1000x128xf32, #tpu.memory_space<vmem_shared>>
          tpu.enqueue_indirect_dma source(%dma_start3A_155 : memref<1000x128xf32, #tpu.memory_space<vmem_shared>>) target(%arg9 : memref<128x128xf32, #tpu.memory_space<vmem>>) offsets(%dma_start3A_152 : memref<128xi32, #tpu.memory_space<vmem>>) semaphore(%arg13 : memref<!tpu.dma_semaphore, #tpu.memory_space<semaphore_mem>>)
        } else {
        }
        %mul3A_73 = arith.constant 4 : i32
        %mul3A_74 = arith.muli %scan3A_48, %mul3A_73 : i32
        %add3A_75 = arith.constant 1 : i32
        %add3A_76 = arith.addi %mul3A_74, %add3A_75 : i32
        %dma_wait3A_77 = arith.constant 0 : i32
        %dma_wait3A_78 = arith.constant 0 : i32
        %dma_wait3A_79 = tpu.memref_slice %arg6[%dma_wait3A_77, %dma_wait3A_78] : memref<1000x128xf32, #tpu.memory_space<vmem_shared>> -> memref<128x128xf32, #tpu.memory_space<vmem_shared>>
        %dma_wait3A_80 = arith.constant 0 : i32
        %dma_wait3A_81 = arith.constant 0 : i32
        %dma_wait3A_82 = tpu.memref_slice %arg6[%dma_wait3A_80, %dma_wait3A_81] : memref<1000x128xf32, #tpu.memory_space<vmem_shared>> -> memref<128x128xf32, #tpu.memory_space<vmem_shared>>
        tpu.wait_dma2 semaphore(%arg12 : memref<!tpu.dma_semaphore, #tpu.memory_space<semaphore_mem>>) src(%dma_wait3A_82 : memref<128x128xf32, #tpu.memory_space<vmem_shared>>) dst(%arg8 : memref<128x128xf32, #tpu.memory_space<vmem>>)
        %mul3A_83 = arith.constant 128 : i32
        %mul3A_84 = arith.muli %add3A_76, %mul3A_83 : i32
        %add3A_85 = arith.addi %add3A_15, %mul3A_84 : i32
        %dma_start3A_86 = arith.constant 0 : i32
        %dma_start3A_87 = tpu.memref_slice %arg4[%add3A_85, %dma_start3A_86] : memref<3276800x128xf32, #tpu.memory_space<hbm>> -> memref<128x128xf32, #tpu.memory_space<hbm>>
        %dma_start3A_88 = arith.constant 0 : i32
        %dma_start3A_89 = tpu.memref_slice %arg4[%add3A_85, %dma_start3A_88] : memref<3276800x128xf32, #tpu.memory_space<hbm>> -> memref<128x128xf32, #tpu.memory_space<hbm>>
        tpu.enqueue_dma source(%arg8 : memref<128x128xf32, #tpu.memory_space<vmem>>) target(%dma_start3A_89 : memref<128x128xf32, #tpu.memory_space<hbm>>) target_semaphore(%arg16 : memref<!tpu.dma_semaphore, #tpu.memory_space<semaphore_mem>>)
        %add3A_90 = arith.constant 2 : i32
        %add3A_91 = arith.addi %add3A_76, %add3A_90 : i32
        %lt3A_92 = arith.constant 100 : i32
        %lt3A_93 = arith.cmpi slt, %add3A_91, %lt3A_92 : i32
        %convert_element_type3A_94 = arith.extui %lt3A_93 : i1 to i32
        %cond3A_95 = arith.constant 0 : i32
        %cond3A_96 = arith.cmpi ne, %convert_element_type3A_94, %cond3A_95 : i32
        scf.if %cond3A_96 {
          %ge3A = arith.constant 2 : i32
          %ge3A_146 = arith.cmpi sge, %add3A_76, %ge3A : i32
          %convert_element_type3A_147 = arith.extui %ge3A_146 : i1 to i32
          %cond3A_148 = arith.constant 0 : i32
          %cond3A_149 = arith.cmpi ne, %convert_element_type3A_147, %cond3A_148 : i32
          scf.if %cond3A_149 {
            %dma_wait3A_156 = arith.constant 0 : i32
            %dma_wait3A_157 = tpu.memref_slice %arg4[%add3A_15, %dma_wait3A_156] : memref<3276800x128xf32, #tpu.memory_space<hbm>> -> memref<128x128xf32, #tpu.memory_space<hbm>>
            %dma_wait3A_158 = arith.constant 0 : i32
            %dma_wait3A_159 = tpu.memref_slice %arg4[%add3A_15, %dma_wait3A_158] : memref<3276800x128xf32, #tpu.memory_space<hbm>> -> memref<128x128xf32, #tpu.memory_space<hbm>>
            tpu.wait_dma2 semaphore(%arg18 : memref<!tpu.dma_semaphore, #tpu.memory_space<semaphore_mem>>) src(%arg10 : memref<128x128xf32, #tpu.memory_space<vmem>>) dst(%dma_wait3A_159 : memref<128x128xf32, #tpu.memory_space<hbm>>)
          } else {
          }
          %mul3A_150 = arith.constant 128 : i32
          %mul3A_151 = arith.muli %add3A_91, %mul3A_150 : i32
          %dma_start3A_152 = tpu.memref_slice %arg5[%mul3A_151] : memref<12800xi32, #tpu.memory_space<vmem>> -> memref<128xi32, #tpu.memory_space<vmem>>
          %dma_start3A_153 = arith.constant 0 : i32
          %dma_start3A_154 = arith.constant 0 : i32
          %dma_start3A_155 = tpu.memref_slice %arg6[%dma_start3A_153, %dma_start3A_154] : memref<1000x128xf32, #tpu.memory_space<vmem_shared>> -> memref<1000x128xf32, #tpu.memory_space<vmem_shared>>
          tpu.enqueue_indirect_dma source(%dma_start3A_155 : memref<1000x128xf32, #tpu.memory_space<vmem_shared>>) target(%arg10 : memref<128x128xf32, #tpu.memory_space<vmem>>) offsets(%dma_start3A_152 : memref<128xi32, #tpu.memory_space<vmem>>) semaphore(%arg14 : memref<!tpu.dma_semaphore, #tpu.memory_space<semaphore_mem>>)
        } else {
        }
        %mul3A_97 = arith.constant 4 : i32
        %mul3A_98 = arith.muli %scan3A_48, %mul3A_97 : i32
        %add3A_99 = arith.constant 2 : i32
        %add3A_100 = arith.addi %mul3A_98, %add3A_99 : i32
        %dma_wait3A_101 = arith.constant 0 : i32
        %dma_wait3A_102 = arith.constant 0 : i32
        %dma_wait3A_103 = tpu.memref_slice %arg6[%dma_wait3A_101, %dma_wait3A_102] : memref<1000x128xf32, #tpu.memory_space<vmem_shared>> -> memref<128x128xf32, #tpu.memory_space<vmem_shared>>
        %dma_wait3A_104 = arith.constant 0 : i32
        %dma_wait3A_105 = arith.constant 0 : i32
        %dma_wait3A_106 = tpu.memref_slice %arg6[%dma_wait3A_104, %dma_wait3A_105] : memref<1000x128xf32, #tpu.memory_space<vmem_shared>> -> memref<128x128xf32, #tpu.memory_space<vmem_shared>>
        tpu.wait_dma2 semaphore(%arg13 : memref<!tpu.dma_semaphore, #tpu.memory_space<semaphore_mem>>) src(%dma_wait3A_106 : memref<128x128xf32, #tpu.memory_space<vmem_shared>>) dst(%arg9 : memref<128x128xf32, #tpu.memory_space<vmem>>)
        %mul3A_107 = arith.constant 128 : i32
        %mul3A_108 = arith.muli %add3A_100, %mul3A_107 : i32
        %add3A_109 = arith.addi %add3A_15, %mul3A_108 : i32
        %dma_start3A_110 = arith.constant 0 : i32
        %dma_start3A_111 = tpu.memref_slice %arg4[%add3A_109, %dma_start3A_110] : memref<3276800x128xf32, #tpu.memory_space<hbm>> -> memref<128x128xf32, #tpu.memory_space<hbm>>
        %dma_start3A_112 = arith.constant 0 : i32
        %dma_start3A_113 = tpu.memref_slice %arg4[%add3A_109, %dma_start3A_112] : memref<3276800x128xf32, #tpu.memory_space<hbm>> -> memref<128x128xf32, #tpu.memory_space<hbm>>
        tpu.enqueue_dma source(%arg9 : memref<128x128xf32, #tpu.memory_space<vmem>>) target(%dma_start3A_113 : memref<128x128xf32, #tpu.memory_space<hbm>>) target_semaphore(%arg17 : memref<!tpu.dma_semaphore, #tpu.memory_space<semaphore_mem>>)
        %add3A_114 = arith.constant 2 : i32
        %add3A_115 = arith.addi %add3A_100, %add3A_114 : i32
        %lt3A_116 = arith.constant 100 : i32
        %lt3A_117 = arith.cmpi slt, %add3A_115, %lt3A_116 : i32
        %convert_element_type3A_118 = arith.extui %lt3A_117 : i1 to i32
        %cond3A_119 = arith.constant 0 : i32
        %cond3A_120 = arith.cmpi ne, %convert_element_type3A_118, %cond3A_119 : i32
        scf.if %cond3A_120 {
          %ge3A = arith.constant 2 : i32
          %ge3A_146 = arith.cmpi sge, %add3A_100, %ge3A : i32
          %convert_element_type3A_147 = arith.extui %ge3A_146 : i1 to i32
          %cond3A_148 = arith.constant 0 : i32
          %cond3A_149 = arith.cmpi ne, %convert_element_type3A_147, %cond3A_148 : i32
          scf.if %cond3A_149 {
            %dma_wait3A_156 = arith.constant 0 : i32
            %dma_wait3A_157 = tpu.memref_slice %arg4[%add3A_15, %dma_wait3A_156] : memref<3276800x128xf32, #tpu.memory_space<hbm>> -> memref<128x128xf32, #tpu.memory_space<hbm>>
            %dma_wait3A_158 = arith.constant 0 : i32
            %dma_wait3A_159 = tpu.memref_slice %arg4[%add3A_15, %dma_wait3A_158] : memref<3276800x128xf32, #tpu.memory_space<hbm>> -> memref<128x128xf32, #tpu.memory_space<hbm>>
            tpu.wait_dma2 semaphore(%arg15 : memref<!tpu.dma_semaphore, #tpu.memory_space<semaphore_mem>>) src(%arg7 : memref<128x128xf32, #tpu.memory_space<vmem>>) dst(%dma_wait3A_159 : memref<128x128xf32, #tpu.memory_space<hbm>>)
          } else {
          }
          %mul3A_150 = arith.constant 128 : i32
          %mul3A_151 = arith.muli %add3A_115, %mul3A_150 : i32
          %dma_start3A_152 = tpu.memref_slice %arg5[%mul3A_151] : memref<12800xi32, #tpu.memory_space<vmem>> -> memref<128xi32, #tpu.memory_space<vmem>>
          %dma_start3A_153 = arith.constant 0 : i32
          %dma_start3A_154 = arith.constant 0 : i32
          %dma_start3A_155 = tpu.memref_slice %arg6[%dma_start3A_153, %dma_start3A_154] : memref<1000x128xf32, #tpu.memory_space<vmem_shared>> -> memref<1000x128xf32, #tpu.memory_space<vmem_shared>>
          tpu.enqueue_indirect_dma source(%dma_start3A_155 : memref<1000x128xf32, #tpu.memory_space<vmem_shared>>) target(%arg7 : memref<128x128xf32, #tpu.memory_space<vmem>>) offsets(%dma_start3A_152 : memref<128xi32, #tpu.memory_space<vmem>>) semaphore(%arg11 : memref<!tpu.dma_semaphore, #tpu.memory_space<semaphore_mem>>)
        } else {
        }
        %mul3A_121 = arith.constant 4 : i32
        %mul3A_122 = arith.muli %scan3A_48, %mul3A_121 : i32
        %add3A_123 = arith.constant 3 : i32
        %add3A_124 = arith.addi %mul3A_122, %add3A_123 : i32
        %dma_wait3A_125 = arith.constant 0 : i32
        %dma_wait3A_126 = arith.constant 0 : i32
        %dma_wait3A_127 = tpu.memref_slice %arg6[%dma_wait3A_125, %dma_wait3A_126] : memref<1000x128xf32, #tpu.memory_space<vmem_shared>> -> memref<128x128xf32, #tpu.memory_space<vmem_shared>>
        %dma_wait3A_128 = arith.constant 0 : i32
        %dma_wait3A_129 = arith.constant 0 : i32
        %dma_wait3A_130 = tpu.memref_slice %arg6[%dma_wait3A_128, %dma_wait3A_129] : memref<1000x128xf32, #tpu.memory_space<vmem_shared>> -> memref<128x128xf32, #tpu.memory_space<vmem_shared>>
        tpu.wait_dma2 semaphore(%arg14 : memref<!tpu.dma_semaphore, #tpu.memory_space<semaphore_mem>>) src(%dma_wait3A_130 : memref<128x128xf32, #tpu.memory_space<vmem_shared>>) dst(%arg10 : memref<128x128xf32, #tpu.memory_space<vmem>>)
        %mul3A_131 = arith.constant 128 : i32
        %mul3A_132 = arith.muli %add3A_124, %mul3A_131 : i32
        %add3A_133 = arith.addi %add3A_15, %mul3A_132 : i32
        %dma_start3A_134 = arith.constant 0 : i32
        %dma_start3A_135 = tpu.memref_slice %arg4[%add3A_133, %dma_start3A_134] : memref<3276800x128xf32, #tpu.memory_space<hbm>> -> memref<128x128xf32, #tpu.memory_space<hbm>>
        %dma_start3A_136 = arith.constant 0 : i32
        %dma_start3A_137 = tpu.memref_slice %arg4[%add3A_133, %dma_start3A_136] : memref<3276800x128xf32, #tpu.memory_space<hbm>> -> memref<128x128xf32, #tpu.memory_space<hbm>>
        tpu.enqueue_dma source(%arg10 : memref<128x128xf32, #tpu.memory_space<vmem>>) target(%dma_start3A_137 : memref<128x128xf32, #tpu.memory_space<hbm>>) target_semaphore(%arg18 : memref<!tpu.dma_semaphore, #tpu.memory_space<semaphore_mem>>)
        %add3A_138 = arith.constant 2 : i32
        %add3A_139 = arith.addi %add3A_124, %add3A_138 : i32
        %lt3A_140 = arith.constant 100 : i32
        %lt3A_141 = arith.cmpi slt, %add3A_139, %lt3A_140 : i32
        %convert_element_type3A_142 = arith.extui %lt3A_141 : i1 to i32
        %cond3A_143 = arith.constant 0 : i32
        %cond3A_144 = arith.cmpi ne, %convert_element_type3A_142, %cond3A_143 : i32
        scf.if %cond3A_144 {
          %ge3A = arith.constant 2 : i32
          %ge3A_146 = arith.cmpi sge, %add3A_124, %ge3A : i32
          %convert_element_type3A_147 = arith.extui %ge3A_146 : i1 to i32
          %cond3A_148 = arith.constant 0 : i32
          %cond3A_149 = arith.cmpi ne, %convert_element_type3A_147, %cond3A_148 : i32
          scf.if %cond3A_149 {
            %dma_wait3A_156 = arith.constant 0 : i32
            %dma_wait3A_157 = tpu.memref_slice %arg4[%add3A_15, %dma_wait3A_156] : memref<3276800x128xf32, #tpu.memory_space<hbm>> -> memref<128x128xf32, #tpu.memory_space<hbm>>
            %dma_wait3A_158 = arith.constant 0 : i32
            %dma_wait3A_159 = tpu.memref_slice %arg4[%add3A_15, %dma_wait3A_158] : memref<3276800x128xf32, #tpu.memory_space<hbm>> -> memref<128x128xf32, #tpu.memory_space<hbm>>
            tpu.wait_dma2 semaphore(%arg16 : memref<!tpu.dma_semaphore, #tpu.memory_space<semaphore_mem>>) src(%arg8 : memref<128x128xf32, #tpu.memory_space<vmem>>) dst(%dma_wait3A_159 : memref<128x128xf32, #tpu.memory_space<hbm>>)
          } else {
          }
          %mul3A_150 = arith.constant 128 : i32
          %mul3A_151 = arith.muli %add3A_139, %mul3A_150 : i32
          %dma_start3A_152 = tpu.memref_slice %arg5[%mul3A_151] : memref<12800xi32, #tpu.memory_space<vmem>> -> memref<128xi32, #tpu.memory_space<vmem>>
          %dma_start3A_153 = arith.constant 0 : i32
          %dma_start3A_154 = arith.constant 0 : i32
          %dma_start3A_155 = tpu.memref_slice %arg6[%dma_start3A_153, %dma_start3A_154] : memref<1000x128xf32, #tpu.memory_space<vmem_shared>> -> memref<1000x128xf32, #tpu.memory_space<vmem_shared>>
          tpu.enqueue_indirect_dma source(%dma_start3A_155 : memref<1000x128xf32, #tpu.memory_space<vmem_shared>>) target(%arg8 : memref<128x128xf32, #tpu.memory_space<vmem>>) offsets(%dma_start3A_152 : memref<128xi32, #tpu.memory_space<vmem>>) semaphore(%arg12 : memref<!tpu.dma_semaphore, #tpu.memory_space<semaphore_mem>>)
        } else {
        }
        %scan3A_145 = arith.constant 0 : i32
        scf.yield %scan3A_145 : i32
      }
      %scan3A_31 = arith.constant 25 : i32
      %dma_wait3A = arith.constant 0 : i32
      %dma_wait3A_32 = tpu.memref_slice %arg4[%add3A_15, %dma_wait3A] : memref<3276800x128xf32, #tpu.memory_space<hbm>> -> memref<128x128xf32, #tpu.memory_space<hbm>>
      %dma_wait3A_33 = arith.constant 0 : i32
      %dma_wait3A_34 = tpu.memref_slice %arg4[%add3A_15, %dma_wait3A_33] : memref<3276800x128xf32, #tpu.memory_space<hbm>> -> memref<128x128xf32, #tpu.memory_space<hbm>>
      tpu.wait_dma2 semaphore(%arg15 : memref<!tpu.dma_semaphore, #tpu.memory_space<semaphore_mem>>) src(%arg7 : memref<128x128xf32, #tpu.memory_space<vmem>>) dst(%dma_wait3A_34 : memref<128x128xf32, #tpu.memory_space<hbm>>)
      %dma_wait3A_35 = arith.constant 0 : i32
      %dma_wait3A_36 = tpu.memref_slice %arg4[%add3A_15, %dma_wait3A_35] : memref<3276800x128xf32, #tpu.memory_space<hbm>> -> memref<128x128xf32, #tpu.memory_space<hbm>>
      %dma_wait3A_37 = arith.constant 0 : i32
      %dma_wait3A_38 = tpu.memref_slice %arg4[%add3A_15, %dma_wait3A_37] : memref<3276800x128xf32, #tpu.memory_space<hbm>> -> memref<128x128xf32, #tpu.memory_space<hbm>>
      tpu.wait_dma2 semaphore(%arg16 : memref<!tpu.dma_semaphore, #tpu.memory_space<semaphore_mem>>) src(%arg8 : memref<128x128xf32, #tpu.memory_space<vmem>>) dst(%dma_wait3A_38 : memref<128x128xf32, #tpu.memory_space<hbm>>)
      %dma_wait3A_39 = arith.constant 0 : i32
      %dma_wait3A_40 = tpu.memref_slice %arg4[%add3A_15, %dma_wait3A_39] : memref<3276800x128xf32, #tpu.memory_space<hbm>> -> memref<128x128xf32, #tpu.memory_space<hbm>>
      %dma_wait3A_41 = arith.constant 0 : i32
      %dma_wait3A_42 = tpu.memref_slice %arg4[%add3A_15, %dma_wait3A_41] : memref<3276800x128xf32, #tpu.memory_space<hbm>> -> memref<128x128xf32, #tpu.memory_space<hbm>>
      tpu.wait_dma2 semaphore(%arg17 : memref<!tpu.dma_semaphore, #tpu.memory_space<semaphore_mem>>) src(%arg9 : memref<128x128xf32, #tpu.memory_space<vmem>>) dst(%dma_wait3A_42 : memref<128x128xf32, #tpu.memory_space<hbm>>)
      %dma_wait3A_43 = arith.constant 0 : i32
      %dma_wait3A_44 = tpu.memref_slice %arg4[%add3A_15, %dma_wait3A_43] : memref<3276800x128xf32, #tpu.memory_space<hbm>> -> memref<128x128xf32, #tpu.memory_space<hbm>>
      %dma_wait3A_45 = arith.constant 0 : i32
      %dma_wait3A_46 = tpu.memref_slice %arg4[%add3A_15, %dma_wait3A_45] : memref<3276800x128xf32, #tpu.memory_space<hbm>> -> memref<128x128xf32, #tpu.memory_space<hbm>>
      tpu.wait_dma2 semaphore(%arg18 : memref<!tpu.dma_semaphore, #tpu.memory_space<semaphore_mem>>) src(%arg10 : memref<128x128xf32, #tpu.memory_space<vmem>>) dst(%dma_wait3A_46 : memref<128x128xf32, #tpu.memory_space<hbm>>)
      %scan3A_47 = arith.constant 0 : i32
      scf.yield %scan3A_47 : i32
    }
    %scan3A_10 = arith.constant 8 : i32
    return
  }
}

</mosaic_0001>

<sc_bundles>
// kernel: _embed.3.cloned.1.call-start
scs
__scs_entry_jumppad:
0x0: {  	(pc) =	sbr.rel $0x88, $3  }
0x1: {  	(tag) =	ssettag $0x0;
	lr =	simm.s32 $0x1  }
0x2: {  	[smem:$0x3F9F] =	sst lr;
	_ =	strace $0xD0000000  }
0x3: {  	_ = 	snop  }
0x4: {  	_ = 	snop  }
0x5: {  	_ = 	snop  }
0x6: {  	_ = 	snop  }
0x7: {  	_ = 	snop  }
__scs_overlays_trampoline_lowered:
0x8: {  	[smem:$0x3FAE] =	sst s0  }
0x9: {  	[smem:$0x3FAF] =	sst s1  }
0xa: {  	[smem:$0x3FB0] =	sst s2  }
0xb: {  	[smem:$0x3FB1] =	sst s3  }
0xc: {  	[smem:$0x3FB2] =	sst s4  }
0xd: {  	[smem:$0x3FB3] =	sst s5  }
0xe: {  	[smem:$0x3FB4] =	sst s6  }
0xf: {  	[smem:$0x3FB5] =	sst s7  }
0x10: {  	[smem:$0x3FB6] =	sst s8  }
0x11: {  	[smem:$0x3FB7] =	sst s9;
	s0 =	simm.s32 @!p0 $0x0  }
0x12: {  	s1 =	sld [smem:$0x3F9D];
	s0 =	simm.s32 @p0 $0x1  }
0x13: {  	[smem:$0x3FB8] =	sst s0;
	s0 =	simm.s32 @!p1 $0x0  }
0x14: {  	s2 =	sld [smem:$0x3F9C];
	s0 =	simm.s32 @p1 $0x1  }
0x15: {  	[smem:$0x3FB9] =	sst s0;
	s0 =	simm.s32 @!p2 $0x0  }
0x16: {  	s3 =	sld [smem:$0x3FDB];
	s0 =	simm.s32 @p2 $0x1  }
0x17: {  	s4 =	simm.s32 $0x1BF5;
	[smem:$0x3FBB] =	sst s0  }
0x18: {  	s0 =	sld [smem:$0x3F9E];
	_ =	swait.ge [sflag:s4], $0x0  }
0x19: {  	s7 =	sld [smem:$0x3F9F]  }
0x1a: {  	s8 =	sadd.s32 $0xFFFFE003, lr  }
0x1b: {  	s9 =	sadd.s32 $0xFFFFFEF7, lr;
	s5 =	simm.s32 $0xFFFFFFFF;
	p2 =	slt.u32 s8, $0xFFFFF086  }
0x1c: {  	p1 =	slt.u32 s9, $0xF7A;
	s5 =	simm.s32 @!p2 $0x0  }
0x1d: {  	s5 =	simm.s32 @p1 $0x1;
	p0 =	seq.s32 s7, s2  }
0x1e: {  	s7 =	smul.u32 @!p0 $0xF7A, s2;
	p2 =	seq.s32 @!p0 s5, $0x0  }
0x1f: {  	s9 =	smul.u32 $0xF7A, s1;
	s8 =	simm.s32 @!p0 $0x1BF5;
	p2 =	por !p2, p0  }
0x20: {  	[sflag:s8] =	ssyncset.s32 @!p0 $0xFFFFF086;
	s6 =	sadd.s32 @!p0 s3, s7;
	s7 =	simm.s32 @!p0 $0x108  }
0x21: {  	s3 =	sadd.s32 s3, s9;
	s6 =	sadd.s32 @!p0 $0x88, s6;
	s7 =	simm.s32 @p2 $0x1082  }
0x22: {  	[simem:s7], [sflag:s8] =	dma.local @!p0 [hbm:s6], $0xF7A  }
0x23: {  	s9 =	sor.u32 $0xD0000000, s2;
	s6 =	simm.s32 $0x108;
	_ =	swait.ge @!p0 [sflag:s8], $0x0  }
0x24: {  	s3 =	sadd.s32 $0x88, s3;
	s6 =	simm.s32 @!p1 $0x1082;
	[sflag:s4] =	ssyncset.s32 $0xFFFFF086  }
0x25: {  	[simem:s6], [sflag:s4] =	dma.local [hbm:s3], $0xF7A  }
0x26: {  	[smem:$0x3F9F] =	sst s1;
	(tag) =	ssettag s2;
	_ =	strace s9  }
0x27: {  	s1 =	sld [smem:$0x3FAF]  }
0x28: {  	s2 =	sld [smem:$0x3FB0]  }
0x29: {  	s4 =	sld [smem:$0x3FB2]  }
0x2a: {  	p0 =	seq.s32 s5, $0x0;
	s5 =	sld [smem:$0x3FB3]  }
0x2b: {  	s6 =	sld [smem:$0x3FB4]  }
0x2c: {  	s7 =	sld [smem:$0x3FB5]  }
0x2d: {  	s3 =	simm.s32 $0x108;
	s8 =	sld [smem:$0x3FB6]  }
0x2e: {  	s3 =	simm.s32 @!p0 $0x1082;
	s9 =	sld [smem:$0x3FB7]  }
0x2f: {  	lr =	sadd.s32 s0, s3;
	s0 =	sld [smem:$0x3FAE]  }
0x30: {  	s3 =	sld [smem:$0x3FB1]  }
0x31: {  	[smem:$0x3FBA] =	sst s10  }
0x32: {  	s10 =	sld [smem:$0x3FB8];
	_ =	sdelay $0x3  }
0x33: {  	p0 =	seq.s32 s10, $0x1;
	s10 =	sld [smem:$0x3FBA];
	_ =	sdelay $0x3  }
0x34: {  	[smem:$0x3FBA] =	sst s10  }
0x35: {  	s10 =	sld [smem:$0x3FB9];
	_ =	sdelay $0x3  }
0x36: {  	p1 =	seq.s32 s10, $0x1;
	s10 =	sld [smem:$0x3FBA];
	_ =	sdelay $0x3  }
0x37: {  	[smem:$0x3FBA] =	sst s10  }
0x38: {  	s10 =	sld [smem:$0x3FBB]  }
0x39: {  	_ = 	snop;
	(pc) =	sbr.ind lr, $3  }
0x3a: {  	_ = 	snop  }
0x3b: {  	_ = 	snop  }
0x3c: {  	p2 =	seq.s32 s10, $0x1;
	s10 =	sld [smem:$0x3FBA]  }
0x3d: {  	_ =	shalt  }
0x3e: {  	_ =	shalt  }
0x3f: {  	_ =	shalt  }
0x40: {  	_ =	shalt  }
0x41: {  	_ =	shalt  }
0x42: {  	_ =	shalt  }
0x43: {  	_ =	shalt  }
0x44: {  	_ =	shalt  }
0x45: {  	_ =	shalt  }
0x46: {  	_ =	shalt  }
0x47: {  	_ =	shalt  }
0x48: {  	_ =	shalt  }
0x49: {  	_ =	shalt  }
0x4a: {  	_ =	shalt  }
0x4b: {  	_ =	shalt  }
0x4c: {  	_ =	shalt  }
0x4d: {  	_ =	shalt  }
0x4e: {  	_ =	shalt  }
0x4f: {  	_ =	shalt  }
0x50: {  	_ =	shalt  }
0x51: {  	_ =	shalt  }
0x52: {  	_ =	shalt  }
0x53: {  	_ =	shalt  }
0x54: {  	_ =	shalt  }
0x55: {  	_ =	shalt  }
0x56: {  	_ =	shalt  }
0x57: {  	_ =	shalt  }
0x58: {  	_ =	shalt  }
0x59: {  	_ =	shalt  }
0x5a: {  	_ =	shalt  }
0x5b: {  	_ =	shalt  }
0x5c: {  	_ =	shalt  }
0x5d: {  	_ =	shalt  }
0x5e: {  	_ =	shalt  }
0x5f: {  	_ =	shalt  }
0x60: {  	_ =	shalt  }
0x61: {  	_ =	shalt  }
0x62: {  	_ =	shalt  }
0x63: {  	_ =	shalt  }
0x64: {  	_ =	shalt  }
0x65: {  	_ =	shalt  }
0x66: {  	_ =	shalt  }
0x67: {  	_ =	shalt  }
0x68: {  	_ =	shalt  }
0x69: {  	_ =	shalt  }
0x6a: {  	_ =	shalt  }
0x6b: {  	_ =	shalt  }
0x6c: {  	_ =	shalt  }
0x6d: {  	_ =	shalt  }
0x6e: {  	_ =	shalt  }
0x6f: {  	_ =	shalt  }
0x70: {  	_ =	shalt  }
0x71: {  	_ =	shalt  }
0x72: {  	_ =	shalt  }
0x73: {  	_ =	shalt  }
0x74: {  	_ =	shalt  }
0x75: {  	_ =	shalt  }
0x76: {  	_ =	shalt  }
0x77: {  	_ =	shalt  }
0x78: {  	_ =	shalt  }
0x79: {  	_ =	shalt  }
0x7a: {  	_ =	shalt  }
0x7b: {  	_ =	shalt  }
0x7c: {  	_ =	shalt  }
0x7d: {  	_ =	shalt  }
0x7e: {  	_ =	shalt  }
0x7f: {  	_ =	shalt  }
0x80: {  	_ =	shalt  }
0x81: {  	_ =	shalt  }
0x82: {  	_ =	shalt  }
0x83: {  	_ =	shalt  }
0x84: {  	_ =	shalt  }
0x85: {  	_ =	shalt  }
0x86: {  	_ =	shalt  }
0x87: {  	_ =	shalt  }
.Lfunc_end0:
.L_simem_size_0:
called_computation_lowered:
.L_overlay_start_0:
0x88: {  	s2 =	sld [smem:$0x3FD9]  }
0x89: {  	s3 =	sld [smem:$0x3FFE];
	_ =	sdelay $0x1  }
0x8a: {  	s1 =	srdreg.scid  }
0x8b: {  	s0 =	sand.u32 $0x1, s1  }
0x8c: {  	s18 =	sshll.u32 s0, $0xA;
	s2 =	sadd.s32 s3, s2  }
0x8d: {  	s2 =	sadd.s32 s2, s18  }
0x8e: {  	[smem:$0x3FC6] =	sst s2  }
0x8f: {  	_ = 	snop  }
0x90: {  	s2 =	sld [smem:$0x3FC9]  }
0x91: {  	s19 =	sld [smem:$0x3FC8]  }
0x92: {  	s4 =	sld [smem:$0x3FD0];
	(tm) =	ssettm $0x1  }
0x93: {  	s5 =	sld [smem:$0x3FFB];
	_ =	sdelay $0x3  }
0x94: {  	_ =	strace s5  }
0x95: {  	s5 =	sld [smem:$0x3FFC];
	_ =	sdelay $0x3  }
0x96: {  	_ =	strace s5  }
0x97: {  	s5 =	sld [smem:$0x3FFD];
	_ =	sdelay $0x3  }
0x98: {  	_ =	strace s5  }
0x99: {  	_ =	strace $0x8FFFFFFF  }
0x9a: {  	s20 =	sld [smem:$0x3FDB];
	_ =	sdelay $0x1  }
0x9b: {  	s6 =	simm.s32 $_scs_section_size  }
0x9c: {  	s7 =	simm.s32 $_size__tile_overlayer_lowered;
	s8 =	simm.s32 $_tile_overlayer_lowered  }
0x9d: {  	s23 =	simm.s32 $0x1BFF;
	s22 =	sshll.u32 s8, $0x1;
	s5 =	sadd.s32 s6, s20  }
0x9e: {  	s9 =	simm.s32 $0x0;
	s21 =	sshll.u32 s7, $0x1;
	s7 =	sadd.s32 s22, s5  }
0x9f: {  	[timem:s9], [sflag:s23] =	dma.local [hbm:s7], s21  }
0xa0: {  	_ =	swait.ge [sflag:s23], s21  }
0xa1: {  	s6 =	ssub.s32 $0x0, s21;
	[sflag:s23] =	ssyncset.done $0x0  }
0xa2: {  	[sflag:s23] =	ssyncadd.s32 s6;
	_ =	sdelay $0x1  }
0xa3: {  	s24 =	simm.s32 $0x1B8B  }
0xa4: {  	_ =	swait.ge [sflag:s24], $0x1  }
0xa5: {  	[sflag:s24] =	ssyncset.done $0x0  }
0xa6: {  	s25 =	simm.s32 $0x1B8E;
	[sflag:s24] =	ssyncadd.s32 $0xFFFFFFFF  }
0xa7: {  	s26 =	simm.s32 $execute0_lowered;
	[smem:$0x3FD2] =	sst s25  }
0xa8: {  	s6 =	sshll.u32 s26, $0x1;
	_ =	strace $0x80000046;
	[dreg:$0x1] =	wrdreg $0xFFFFFFFF  }
0xa9: {  	s28 =	simm.s32 $_size_execute0_lowered;
	s5 =	sadd.s32 s5, s6;
	[dreg:$0x0] =	wrdreg $0x0  }
0xaa: {  	s6 =	sshll.u32 s28, $0x1;
	[dreg:$0x2] =	wrdreg s5  }
0xab: {  	[dreg:$0x3] =	wrdreg s6  }
0xac: {  	[dreg:$0x4] =	wrdreg $0xC0  }
0xad: {  	_ =	task [dreg:s9], $0x5FFFF  }
0xae: {  	[dreg:$0x1] =	wrdreg $0xFFFFFFFF  }
0xaf: {  	[dreg:$0x0] =	wrdreg $0x60  }
0xb0: {  	[dreg:$0x2] =	wrdreg s2  }
0xb1: {  	[dreg:$0x3] =	wrdreg s19  }
0xb2: {  	[dreg:$0x4] =	wrdreg s4  }
0xb3: {  	[dreg:$0x5] =	wrdreg $0x32000  }
0xb4: {  	[dreg:$0x6] =	wrdreg $0x9  }
0xb5: {  	_ =	task.clear_ibuf [dreg:s9], $0x7FFFF;
	_ =	strace $0x90000046  }
0xb6: {  	s29 =	simm.s32 $0x9;
	_ =	strace $0x80000048  }
0xb7: {  	_ =	swait.ge [sflag:s29], $0x1  }
0xb8: {  	[sflag:s29] =	ssyncadd.s32 $0xFFFFFFFF  }
0xb9: {  	_ =	strace $0x90000048  }
0xba: {  	_ =	sfence  }
0xbb: {  	s30 =	sld [smem:$0x0];
	_ =	sdelay $0x2  }
0xbc: {  	s31 =	sshll.u32 s1, $0xD;
	s1 =	sshrl.u32 s1, $0x2  }
0xbd: {  	s3 =	sand.u32 $0x4000, s31;
	s1 =	sadd.s32 s1, s30  }
0xbe: {  	s0 =	sor.u32 s3, s0;
	s1 =	sshll.u32 s1, $0x11  }
0xbf: {  	s0 =	sor.u32 s1, s0  }
0xc0: {  	s0 =	sadd.s32 $0x8F2B, s0  }
0xc1: {  	[sflag:s0] =	ssyncadd.remote.s32 $0x1  }
0xc2: {  	_ =	sfence.sel $0xFFFF  }
0xc3: {  	[dreg:$0x0] =	wrdreg $0xFFFFFFFF;
	(pc) =	sbr.abs _section_cstart, $3  }
0xc4: {  	[dreg:$0x1] =	wrdreg $0xFFFFFFFF  }
0xc5: {  	_ =	task.clear_ibuf [dreg:s9], $0x2FFFF;
	_ =	strace $0x9FFFFFFF  }
0xc6: {  	(tm) =	ssettm $0x7FFFFFFF  }
0xc7: {  	_ =	shalt  }
tec
execute0_lowered:
.L_overlay_start_1:
0x0: {  	(tag) =	ssettag $0x1  }
0x1: {  	s2 =	rddreg [dreg:$0x2];
	s1 =	srdreg.scid  }
0x2: {  	s3 =	stileid.u32;
	s4 =	rddreg [dreg:$0x3];
	s12 =	simm.s32 $0x9  }
0x3: {  	s13 =	simm.s32 $0x80;
	s14 =	simm.s32 $0x5140;
	s15 =	simm.s32 $0x9140  }
0x4: {  	s16 =	simm.s32 $0x1;
	s17 =	simm.s32 $0x100;
	s18 =	simm.s32 $0xD140  }
0x5: {  	s19 =	simm.s32 $0x2;
	s20 =	simm.s32 $0x180;
	s21 =	simm.s32 $0x11140  }
0x6: {  	s22 =	simm.s32 $0x3;
	s23 =	simm.s32 $0x5;
	s24 =	simm.s32 $0x200  }
0x7: {  	s25 =	simm.s32 $0x4;
	s26 =	simm.s32 $0x6;
	s28 =	simm.s32 $0x280  }
0x8: {  	s29 =	simm.s32 $0x7;
	s30 =	simm.s32 $0x8;
	s1 =	sand.u32 $0x1, s1  }
0x9: {  	s5 =	sshll.u32 s3, $0x1;
	s9 =	smul.u32 $0x320000, s3;
	p0 =	sne.s32 s3, $0x0  }
0xa: {  	s6 =	sor.u32 s1, s5;
	s7 =	ssub.s32 $0x2, s1;
	s1 =	smul.u32 $0x190000, s1  }
0xb: {  	s5 =	simm.s32 $0x0;
	s6 =	smul.u32 $0x19000, s6;
	s8 =	sshrl.u32 s7, $0x1  }
.Ltmp0:
0xc: {  	s9 =	sadd.s32 s9, s2;
	s10 =	ssub.s32 s7, s8;
	(pc) =	sbr.rel .LBB2_1-.Ltmp0, $4  }
0xd: {  	[smem:$0x7FF] =	sst s5;
	s1 =	sadd.s32 s1, s9;
	s0 =	smax.u32 s10, $0x1  }
0xe: {  	_ =	strace $0x80000047;
	s31 =	sadd.s32 $0x2000, s1;
	[dreg:$0x5] =	wrdreg s0  }
0xf: {  	s7 =	sadd.s32 $0x800, s2;
	[dreg:$0x6] =	wrdreg s31;
	s0 =	sshrl.u32 @!p0 s4, $0x3  }
0x10: {  	s8 =	sadd.s32 $0x31800, s2;
	s1 =	simm.s32 $0x0;
	[dreg:$0x7] =	wrdreg s0  }
.LBB2_6:
0x11: {  	s1 =	rddreg [dreg:$0x8]  }
0x12: {  	s0 =	rddreg [dreg:$0x5];
	s1 =	sadd.s32 $0x1, s1  }
0x13: {  	p1 =	sne.s32 s1, s0  }
.Ltmp1:
0x14: {  	_ = 	snop;
	(pc) =	sbr.rel @!p1 .LBB2_7-.Ltmp1, $1  }
0x15: {  	_ =	sdelay $0x3  }
.LBB2_1:
0x16: {  	[dreg:$0x8] =	wrdreg s1  }
0x17: {  	s0 =	rddreg [dreg:$0x1]  }
0x18: {  	s1 =	simm.s32 @!p0 $0x1C09;
	s3 =	rddreg [dreg:$0x7]  }
0x19: {  	[spmem:s3], [sflag:s1] =	dma.local @!p0 [hbm:s0], $0x3E80  }
0x1a: {  	s1 =	simm.s32 @!p0 $0x9  }
.Ltmp2:
0x1b: {  	_ =	swait.ge @!p0 [sflag:s1], $0x3E80;
	(pc) =	sbr.rel .LBB2_2-.Ltmp2, $4  }
0x1c: {  	[sflag:s1] =	ssyncset.done @!p0 $0x0  }
0x1d: {  	[sflag:s1] =	ssyncadd.s32 @!p0 $0xFFFFC180  }
0x1e: {  	[bflag:$0x0] =	sbarrier.arrive $0xFFFF  }
0x1f: {  	s1 =	simm.s32 $0x0;
	s3 =	rddreg [dreg:$0x6]  }
.LBB2_5:
0x20: {  	_ =	swait.ge [sflag:s25], $0x4000  }
0x21: {  	[sflag:s25] =	ssyncset.done $0x0  }
0x22: {  	[sflag:s25] =	ssyncadd.s32 $0xFFFFC000  }
0x23: {  	[hbm4b:s11+s5] =	stream.linear.scatter [tilespmem:s21], [sflag:$0x8], $0x4000, $0x38;
	[tilespmem:$0x15140] =	vst v63  }
0x24: {  	_ =	swait.ge [sflag:s23], $0x4000  }
0x25: {  	[sflag:s23] =	ssyncset.done $0x0  }
0x26: {  	[sflag:s23] =	ssyncadd.s32 $0xFFFFC000  }
0x27: {  	_ =	swait.ge [sflag:s26], $0x4000  }
0x28: {  	[sflag:s26] =	ssyncset.done $0x0  }
0x29: {  	s1 =	sadd.s32 $0x1, s1;
	[sflag:s26] =	ssyncadd.s32 $0xFFFFC000  }
0x2a: {  	p1 =	sne.s32 s1, $0x8;
	_ =	swait.ge [sflag:s29], $0x4000  }
.Ltmp3:
0x2b: {  	[sflag:s29] =	ssyncset.done $0x0;
	(pc) =	sbr.rel @!p1 .LBB2_6-.Ltmp3, $4  }
0x2c: {  	[sflag:s29] =	ssyncadd.s32 $0xFFFFC000  }
0x2d: {  	_ =	swait.ge [sflag:s30], $0x4000  }
0x2e: {  	[sflag:s30] =	ssyncset.done $0x0  }
0x2f: {  	s3 =	sadd.s32 $0x32000, s3;
	[sflag:s30] =	ssyncadd.s32 $0xFFFFC000  }
.LBB2_2:
0x30: {  	s9 =	smul.u32 $0x3200, s1;
	_ =	sdelay $0x1  }
0x31: {  	s10 =	sadd.s32 s6, s9  }
0x32: {  	s0 =	rddreg [dreg:$0x0];
	s9 =	sshrl.u32 s10, $0x3  }
0x33: {  	s11 =	sadd.s32 s0, s9;
	s9 =	simm.s32 $0x0  }
0x34: {  	[tilespmem:s9], [sflag:$0x9] =	stream.linear.gather [hbm4b:s11+s9], $0x3200, $0x38;
	[tilespmem:$0x15140] =	vst v63  }
0x35: {  	_ =	swait.ge [sflag:s12], $0x3200  }
0x36: {  	[sflag:s12] =	ssyncset.done $0x0  }
0x37: {  	[sflag:s12] =	ssyncadd.s32 $0xFFFFCE00  }
0x38: {  	[tilespmem:s14], [sflag:$0x1] =	stream.indirect.gather [spmem:s4], $0x80, s9, s13, $0xb8;
	[tilespmem:$0x15140] =	vst v63  }
0x39: {  	_ = 	snop  }
0x3a: {  	[tilespmem:s15], [sflag:$0x2] =	stream.indirect.gather [spmem:s4], $0x80, s13, s13, $0xb8;
	[tilespmem:$0x15140] =	vst v63  }
0x3b: {  	_ =	swait.ge [sflag:s16], $0x4000  }
0x3c: {  	s10 =	sshll.u32 s10, $0x4;
	[sflag:s16] =	ssyncset.done $0x0  }
0x3d: {  	s11 =	sadd.s32 s2, s10;
	[sflag:s16] =	ssyncadd.s32 $0xFFFFC000  }
0x3e: {  	[hbm4b:s11+s9] =	stream.linear.scatter [tilespmem:s14], [sflag:$0x5], $0x4000, $0x38;
	[tilespmem:$0x15140] =	vst v63  }
0x3f: {  	_ = 	snop  }
0x40: {  	[tilespmem:s18], [sflag:$0x3] =	stream.indirect.gather [spmem:s4], $0x80, s17, s13, $0xb8;
	[tilespmem:$0x15140] =	vst v63  }
0x41: {  	_ =	swait.ge [sflag:s19], $0x4000  }
0x42: {  	[sflag:s19] =	ssyncset.done $0x0  }
0x43: {  	s31 =	sadd.s32 s10, s7;
	[sflag:s19] =	ssyncadd.s32 $0xFFFFC000  }
0x44: {  	[hbm4b:s31+s9] =	stream.linear.scatter [tilespmem:s15], [sflag:$0x6], $0x4000, $0x38;
	[tilespmem:$0x15140] =	vst v63  }
0x45: {  	_ = 	snop  }
0x46: {  	[tilespmem:s21], [sflag:$0x4] =	stream.indirect.gather [spmem:s4], $0x80, s20, s13, $0xb8;
	[tilespmem:$0x15140] =	vst v63  }
0x47: {  	_ =	swait.ge [sflag:s22], $0x4000  }
0x48: {  	[sflag:s22] =	ssyncset.done $0x0  }
0x49: {  	s0 =	sadd.s32 $0x1000, s11;
	[sflag:s22] =	ssyncadd.s32 $0xFFFFC000  }
0x4a: {  	[hbm4b:s0+s9] =	stream.linear.scatter [tilespmem:s18], [sflag:$0x7], $0x4000, $0x38;
	[tilespmem:$0x15140] =	vst v63  }
0x4b: {  	_ =	swait.ge [sflag:s23], $0x4000  }
0x4c: {  	[sflag:s23] =	ssyncset.done $0x0  }
0x4d: {  	[sflag:s23] =	ssyncadd.s32 $0xFFFFC000  }
0x4e: {  	[tilespmem:s14], [sflag:$0x1] =	stream.indirect.gather [spmem:s4], $0x80, s24, s13, $0xb8;
	[tilespmem:$0x15140] =	vst v63  }
0x4f: {  	_ =	swait.ge [sflag:s25], $0x4000  }
0x50: {  	[sflag:s25] =	ssyncset.done $0x0  }
0x51: {  	s11 =	sadd.s32 $0x1800, s11;
	[sflag:s25] =	ssyncadd.s32 $0xFFFFC000  }
0x52: {  	[hbm4b:s11+s9] =	stream.linear.scatter [tilespmem:s21], [sflag:$0x8], $0x4000, $0x38;
	[tilespmem:$0x15140] =	vst v63  }
0x53: {  	_ =	swait.ge [sflag:s26], $0x4000  }
0x54: {  	[sflag:s26] =	ssyncset.done $0x0  }
0x55: {  	s11 =	sadd.s32 s10, s8;
	s10 =	smov.u32 s3;
	[sflag:s26] =	ssyncadd.s32 $0xFFFFC000  }
0x56: {  	[tilespmem:s15], [sflag:$0x2] =	stream.indirect.gather [spmem:s4], $0x80, s28, s13, $0xb8;
	[tilespmem:$0x15140] =	vst v63  }
.LBB2_3:
0x57: {  	_ =	swait.ge [sflag:s16], $0x4000  }
0x58: {  	[sflag:s16] =	ssyncset.done $0x0  }
0x59: {  	[sflag:s16] =	ssyncadd.s32 $0xFFFFC000  }
0x5a: {  	[hbm4b:s10+s5] =	stream.linear.scatter [tilespmem:s14], [sflag:$0x5], $0x4000, $0x38;
	[tilespmem:$0x15140] =	vst v63  }
0x5b: {  	_ =	swait.ge [sflag:s29], $0x4000  }
0x5c: {  	s31 =	sshra.s32 s9, $0x2;
	[sflag:s29] =	ssyncset.done $0x0  }
0x5d: {  	s0 =	sadd.s32 $0x300, s31;
	[sflag:s29] =	ssyncadd.s32 $0xFFFFC000  }
0x5e: {  	[tilespmem:s18], [sflag:$0x3] =	stream.indirect.gather [spmem:s4], $0x80, s0, s13, $0xb8;
	[tilespmem:$0x15140] =	vst v63  }
0x5f: {  	_ =	swait.ge [sflag:s19], $0x4000  }
0x60: {  	[sflag:s19] =	ssyncset.done $0x0  }
0x61: {  	s0 =	sadd.s32 $0x800, s10;
	[sflag:s19] =	ssyncadd.s32 $0xFFFFC000  }
0x62: {  	[hbm4b:s0+s5] =	stream.linear.scatter [tilespmem:s15], [sflag:$0x6], $0x4000, $0x38;
	[tilespmem:$0x15140] =	vst v63  }
0x63: {  	_ =	swait.ge [sflag:s30], $0x4000  }
0x64: {  	[sflag:s30] =	ssyncset.done $0x0  }
0x65: {  	p1 =	seq.s32 s9, $0xB800;
	s0 =	sadd.s32 $0x380, s31;
	[sflag:s30] =	ssyncadd.s32 $0xFFFFC000  }
0x66: {  	[tilespmem:s21], [sflag:$0x4] =	stream.indirect.gather [spmem:s4], $0x80, s0, s13, $0xb8;
	[tilespmem:$0x15140] =	vst v63  }
.Ltmp4:
0x67: {  	_ = 	snop;
	(pc) =	sbr.rel @p1 .LBB2_5-.Ltmp4, $4  }
0x68: {  	_ =	swait.ge [sflag:s22], $0x4000  }
0x69: {  	[sflag:s22] =	ssyncset.done $0x0  }
0x6a: {  	s0 =	sadd.s32 $0x1000, s10;
	[sflag:s22] =	ssyncadd.s32 $0xFFFFC000  }
0x6b: {  	[hbm4b:s0+s5] =	stream.linear.scatter [tilespmem:s18], [sflag:$0x7], $0x4000, $0x38;
	[tilespmem:$0x15140] =	vst v63  }
0x6c: {  	_ =	swait.ge [sflag:s23], $0x4000  }
0x6d: {  	[sflag:s23] =	ssyncset.done $0x0  }
0x6e: {  	s0 =	sadd.s32 $0x400, s31;
	[sflag:s23] =	ssyncadd.s32 $0xFFFFC000  }
0x6f: {  	[tilespmem:s14], [sflag:$0x1] =	stream.indirect.gather [spmem:s4], $0x80, s0, s13, $0xb8;
	[tilespmem:$0x15140] =	vst v63  }
0x70: {  	_ =	swait.ge [sflag:s25], $0x4000  }
0x71: {  	[sflag:s25] =	ssyncset.done $0x0  }
0x72: {  	s0 =	sadd.s32 $0x1800, s10;
	[sflag:s25] =	ssyncadd.s32 $0xFFFFC000  }
0x73: {  	[hbm4b:s0+s5] =	stream.linear.scatter [tilespmem:s21], [sflag:$0x8], $0x4000, $0x38;
	[tilespmem:$0x15140] =	vst v63  }
.Ltmp5:
0x74: {  	_ = 	snop;
	(pc) =	sbr.rel .LBB2_3-.Ltmp5, $4  }
0x75: {  	_ =	swait.ge [sflag:s26], $0x4000  }
0x76: {  	s31 =	sadd.s32 $0x480, s31;
	[sflag:s26] =	ssyncset.done $0x0  }
0x77: {  	s9 =	sadd.s32 $0x800, s9;
	s10 =	sadd.s32 $0x2000, s10;
	[sflag:s26] =	ssyncadd.s32 $0xFFFFC000  }
0x78: {  	[tilespmem:s15], [sflag:$0x2] =	stream.indirect.gather [spmem:s4], $0x80, s31, s13, $0xb8;
	[tilespmem:$0x15140] =	vst v63  }
.LBB2_7:
0x79: {  	_ =	sfence.sel $0x180000  }
0x7a: {  	[bflag:$0x0] =	sbarrier.arrive $0xFFFF  }
0x7b: {  	_ =	strace $0x90000047  }
0x7c: {  	[bflag:$0x2] =	sbarrier.arrive $0xFFFF  }
0x7d: {  	s0 =	rddreg [dreg:$0x4]  }
0x7e: {  	s0 =	sadd.s32 @!p0 $0x100000, s0  }
0x7f: {  	[sflag:s0] =	ssyncadd.tile.s32 @!p0 $0x1;
	_ =	shalt  }
.Lfunc_end2:
_tile_overlayer_lowered:
.L_overlay_start_2:
0x80: {  	(tag) =	ssettag $0x2  }
0x81: {  	s0 =	rddreg [dreg:$0x0];
	s2 =	stileid.u32  }
0x82: {  	s1 =	rddreg [dreg:$0x1];
	p0 =	sne.s32 s2, $0x0  }
0x83: {  	s3 =	rddreg [dreg:$0x2];
	[bflag:$0x3] =	sbarrier.arrive $0xFFFF;
	s2 =	simm.s32 @!p0 $0x1C09  }
0x84: {  	[timem:s3], [sflag:s2] =	dma.local @!p0 [hbm:s0], s1  }
0x85: {  	s0 =	simm.s32 @!p0 $0x9  }
0x86: {  	_ =	swait.ge @!p0 [sflag:s0], s1  }
0x87: {  	s1 =	ssub.s32 @!p0 $0x0, s1;
	[sflag:s0] =	ssyncset.done @!p0 $0x0  }
0x88: {  	[sflag:s0] =	ssyncadd.s32 @!p0 s1  }
0x89: {  	[bflag:$0x3] =	sbarrier.arrive $0xFFFF  }
0x8a: {  	_ =	shalt  }

</sc_bundles>
